<compile_context>
chip_gen: v7x
topology: tpu7x:2x2x1
jax: 0.10.2.dev20260603
libtpu: 0.0.44.dev20260713+nightly
codegen_flags: <defaults>
</compile_context>

<pallas_src>
import functools

import jax
import jax.numpy as jnp
from jax import lax
from jax.experimental import pallas as pl
from jax.experimental.pallas import tpu as pltpu
from jax.experimental.pallas import tpu_sc as plsc


def kernel(input_pos, k_val, v_val, k_cache, v_cache):
    B, Q, D = k_val.shape
    L = 16
    pos = input_pos.astype(jnp.int32)
    k2d = k_val.reshape(B * Q, D)
    v2d = v_val.reshape(B * Q, D)

    mesh = plsc.VectorSubcoreMesh(
        core_axis_name="c", subcore_axis_name="s", num_cores=1
    )

    @functools.partial(
        pl.kernel,
        out_type=(
            jax.ShapeDtypeStruct((B, D), k_val.dtype),
            jax.ShapeDtypeStruct((B, D), v_val.dtype),
        ),
        mesh=mesh,
        scratch_types=[
            pltpu.VMEM((Q,), jnp.int32),
            pltpu.VMEM((Q,), jnp.int32),
            pltpu.VMEM((Q, L), jnp.int32),
            pltpu.VMEM((L,), jnp.int32),
            pltpu.VMEM((1, D), jnp.float32),
            pltpu.VMEM((1, D), jnp.float32),
            pltpu.HBM((B * Q, L), jnp.int32),
            pltpu.SemaphoreType.DMA,
        ],
    )
    def run(pos_hbm, k_hbm, v_hbm, ko_hbm, vo_hbm,
            pos_v, dst_v, ids_v, gidx_v, krow_v, vrow_v, inv_hbm, sem):
        sid = lax.axis_index("s")
        base = sid * Q
        pltpu.sync_copy(pos_hbm, pos_v)
        dst_v[...] = pos_v[...] + base
        for j in range(Q):
            ids_v[j, :] = jnp.full((L,), base + j, jnp.int32)
        pltpu.sync_copy(ids_v.at[pl.ds(0, 1)], inv_hbm.at[pl.ds(sid * Q, 1)])
        pltpu.async_copy(ids_v, inv_hbm.at[dst_v], sem).wait()
        pltpu.sync_copy(inv_hbm.at[sid * Q], gidx_v)
        gk = pltpu.async_copy(k2_hbm_at(k_hbm, gidx_v), krow_v, sem)
        gv = pltpu.async_copy(k2_hbm_at(v_hbm, gidx_v), vrow_v, sem)
        gk.wait()
        gv.wait()
        ok = pltpu.async_copy(krow_v, ko_hbm.at[pl.ds(sid, 1)], sem)
        ov = pltpu.async_copy(vrow_v, vo_hbm.at[pl.ds(sid, 1)], sem)
        ok.wait()
        ov.wait()

    def k2_hbm_at(ref, gidx_v):
        return ref.at[gidx_v.at[pl.ds(0, 1)]]

    ko, vo = run(pos, k2d, v2d)
    return ko.reshape(B, 1, D), vo.reshape(B, 1, D)

# --- scband reference (transcript-rebuilt; emitter-appended) ---
"""Pipeline reference for scband-kvcache-34591666602709 (READ-ONLY COPY).

The authoritative reference and input builder live on the scoring server;
editing this copy changes nothing except your own understanding.
"""

import jax, jax.numpy as jnp
import numpy as np

B, S, D, Q = 16, 4096, 1024, 16

def setup_inputs(seed: int = 0) -> dict:
    key = jax.random.key(seed)
    k1, k2 = jax.random.split(key)
    input_pos = jnp.arange(Q)
    k_val = jax.random.normal(k1, (B, Q, D), dtype=jnp.float32)
    v_val = jax.random.normal(k2, (B, Q, D), dtype=jnp.float32)
    # persistent cache buffers (registered buffers in the torch module)
    k_cache = jnp.zeros((B, S, D), dtype=jnp.float32)
    v_cache = jnp.zeros((B, S, D), dtype=jnp.float32)
    return {"input_pos": input_pos, "k_val": k_val, "v_val": v_val,
            "k_cache": k_cache, "v_cache": v_cache}

def reference(input_pos, k_val, v_val, k_cache, v_cache):
    # index = input_pos[0] + 1; input_pos is always arange(Q), so this is statically 1
    index = 1
    # scatter-overwrite along the sequence dimension
    k_new = k_cache.at[:, input_pos, :].set(k_val)
    v_new = v_cache.at[:, input_pos, :].set(v_val)
    return (k_new[:, :index], v_new[:, :index])

if __name__ == "__main__":
    import jax
    _d = setup_inputs()
    print(jax.jit(kernel)(*tuple(_d.values())))

</pallas_src>

<mosaic_0001>
#map = affine_map<(d0, d1) -> (0)>
#map1 = affine_map<(d0, d1) -> (0, 0)>
module attributes {stable_mosaic.version = 14 : i64} {
  func.func @run(%arg0: i32, %arg1: i32, %arg2: memref<16xi32, #tpu.memory_space<hbm>>, %arg3: memref<256x1024xf32, #tpu.memory_space<hbm>>, %arg4: memref<256x1024xf32, #tpu.memory_space<hbm>>, %arg5: memref<16x1024xf32, #tpu.memory_space<hbm>>, %arg6: memref<16x1024xf32, #tpu.memory_space<hbm>>, %arg7: memref<16xi32, #tpu.memory_space<vmem>>, %arg8: memref<16xi32, #tpu.memory_space<vmem>>, %arg9: memref<16x16xi32, #tpu.memory_space<vmem>>, %arg10: memref<16xi32, #tpu.memory_space<vmem>>, %arg11: memref<1x1024xf32, #tpu.memory_space<vmem>>, %arg12: memref<1x1024xf32, #tpu.memory_space<vmem>>, %arg13: memref<256x16xi32, #tpu.memory_space<hbm>>, %arg14: memref<!tpu.dma_semaphore, #tpu.memory_space<semaphore_mem>>) attributes {dimension_semantics = [#tpu.dimension_semantics<core_parallel>, #tpu.dimension_semantics<subcore_parallel>], iteration_bounds = array<i64: 1, 16>, scalar_prefetch = 0 : i64, scratch_operands = 8 : i64, tpu.core_type = #tpu.core_type<sc_vector_subcore>, window_params = [{transform_indices = #map}, {transform_indices = #map1}, {transform_indices = #map1}, {transform_indices = #map1}, {transform_indices = #map1}]} {
    %mul3A = arith.constant 16 : i32
    %mul3A_0 = arith.muli %arg1, %mul3A : i32
    "tpu.region"() ({
      %run_scoped3A = tpu.sem_alloc : memref<!tpu.dma_semaphore, #tpu.memory_space<semaphore_mem>>
      tpu.enqueue_dma source(%arg2 : memref<16xi32, #tpu.memory_space<hbm>>) target(%arg7 : memref<16xi32, #tpu.memory_space<vmem>>) target_semaphore(%run_scoped3A : memref<!tpu.dma_semaphore, #tpu.memory_space<semaphore_mem>>)
      tpu.wait_dma2 semaphore(%run_scoped3A : memref<!tpu.dma_semaphore, #tpu.memory_space<semaphore_mem>>) src(%arg2 : memref<16xi32, #tpu.memory_space<hbm>>) dst(%arg7 : memref<16xi32, #tpu.memory_space<vmem>>)
      tpu.yield
    }) : () -> ()
    %get3A = arith.constant 0 : index
    %get3A_1 = tpu.vector_load %arg7[%get3A] {strides = array<i32>} : memref<16xi32, #tpu.memory_space<vmem>>, vector<16xi32>,
    %get3A_2 = vector.shape_cast %get3A_1 : vector<16xi32> to vector<16xi32>
    %add3A = vector.broadcast %mul3A_0 : i32 to vector<16xi32>
    %add3A_3 = arith.addi %get3A_2, %add3A : vector<16xi32>
    %swap3A = arith.constant 0 : index
    %swap3A_4 = tpu.vector_load %arg8[%swap3A] {strides = array<i32>} : memref<16xi32, #tpu.memory_space<vmem>>, vector<16xi32>,
    %swap3A_5 = vector.shape_cast %swap3A_4 : vector<16xi32> to vector<16xi32>
    %swap3A_6 = vector.shape_cast %add3A_3 : vector<16xi32> to vector<16xi32>
    tpu.vector_store %arg8[%swap3A], %swap3A_6 {strides = array<i32>} : memref<16xi32, #tpu.memory_space<vmem>>, vector<16xi32>,
    %add3A_7 = arith.constant 0 : i32
    %add3A_8 = arith.addi %mul3A_0, %add3A_7 : i32
    %broadcast_in_dim3A = vector.broadcast %add3A_8 : i32 to vector<16xi32>
    %swap3A_9 = arith.constant 0 : i32
    %swap3A_10 = arith.index_cast %swap3A_9 : i32 to index
    %swap3A_11 = arith.constant 0 : index
    %swap3A_12 = tpu.vector_load %arg9[%swap3A_10, %swap3A_11] {strides = array<i32>} : memref<16x16xi32, #tpu.memory_space<vmem>>, vector<1x16xi32>,
    %swap3A_13 = vector.shape_cast %swap3A_12 : vector<1x16xi32> to vector<16xi32>
    %swap3A_14 = vector.shape_cast %broadcast_in_dim3A : vector<16xi32> to vector<1x16xi32>
    tpu.vector_store %arg9[%swap3A_10, %swap3A_11], %swap3A_14 {strides = array<i32>} : memref<16x16xi32, #tpu.memory_space<vmem>>, vector<1x16xi32>,
    %add3A_15 = arith.constant 1 : i32
    %add3A_16 = arith.addi %mul3A_0, %add3A_15 : i32
    %broadcast_in_dim3A_17 = vector.broadcast %add3A_16 : i32 to vector<16xi32>
    %swap3A_18 = arith.constant 1 : i32
    %swap3A_19 = arith.index_cast %swap3A_18 : i32 to index
    %swap3A_20 = arith.constant 0 : index
    %swap3A_21 = tpu.vector_load %arg9[%swap3A_19, %swap3A_20] {strides = array<i32>} : memref<16x16xi32, #tpu.memory_space<vmem>>, vector<1x16xi32>,
    %swap3A_22 = vector.shape_cast %swap3A_21 : vector<1x16xi32> to vector<16xi32>
    %swap3A_23 = vector.shape_cast %broadcast_in_dim3A_17 : vector<16xi32> to vector<1x16xi32>
    tpu.vector_store %arg9[%swap3A_19, %swap3A_20], %swap3A_23 {strides = array<i32>} : memref<16x16xi32, #tpu.memory_space<vmem>>, vector<1x16xi32>,
    %add3A_24 = arith.constant 2 : i32
    %add3A_25 = arith.addi %mul3A_0, %add3A_24 : i32
    %broadcast_in_dim3A_26 = vector.broadcast %add3A_25 : i32 to vector<16xi32>
    %swap3A_27 = arith.constant 2 : i32
    %swap3A_28 = arith.index_cast %swap3A_27 : i32 to index
    %swap3A_29 = arith.constant 0 : index
    %swap3A_30 = tpu.vector_load %arg9[%swap3A_28, %swap3A_29] {strides = array<i32>} : memref<16x16xi32, #tpu.memory_space<vmem>>, vector<1x16xi32>,
    %swap3A_31 = vector.shape_cast %swap3A_30 : vector<1x16xi32> to vector<16xi32>
    %swap3A_32 = vector.shape_cast %broadcast_in_dim3A_26 : vector<16xi32> to vector<1x16xi32>
    tpu.vector_store %arg9[%swap3A_28, %swap3A_29], %swap3A_32 {strides = array<i32>} : memref<16x16xi32, #tpu.memory_space<vmem>>, vector<1x16xi32>,
    %add3A_33 = arith.constant 3 : i32
    %add3A_34 = arith.addi %mul3A_0, %add3A_33 : i32
    %broadcast_in_dim3A_35 = vector.broadcast %add3A_34 : i32 to vector<16xi32>
    %swap3A_36 = arith.constant 3 : i32
    %swap3A_37 = arith.index_cast %swap3A_36 : i32 to index
    %swap3A_38 = arith.constant 0 : index
    %swap3A_39 = tpu.vector_load %arg9[%swap3A_37, %swap3A_38] {strides = array<i32>} : memref<16x16xi32, #tpu.memory_space<vmem>>, vector<1x16xi32>,
    %swap3A_40 = vector.shape_cast %swap3A_39 : vector<1x16xi32> to vector<16xi32>
    %swap3A_41 = vector.shape_cast %broadcast_in_dim3A_35 : vector<16xi32> to vector<1x16xi32>
    tpu.vector_store %arg9[%swap3A_37, %swap3A_38], %swap3A_41 {strides = array<i32>} : memref<16x16xi32, #tpu.memory_space<vmem>>, vector<1x16xi32>,
    %add3A_42 = arith.constant 4 : i32
    %add3A_43 = arith.addi %mul3A_0, %add3A_42 : i32
    %broadcast_in_dim3A_44 = vector.broadcast %add3A_43 : i32 to vector<16xi32>
    %swap3A_45 = arith.constant 4 : i32
    %swap3A_46 = arith.index_cast %swap3A_45 : i32 to index
    %swap3A_47 = arith.constant 0 : index
    %swap3A_48 = tpu.vector_load %arg9[%swap3A_46, %swap3A_47] {strides = array<i32>} : memref<16x16xi32, #tpu.memory_space<vmem>>, vector<1x16xi32>,
    %swap3A_49 = vector.shape_cast %swap3A_48 : vector<1x16xi32> to vector<16xi32>
    %swap3A_50 = vector.shape_cast %broadcast_in_dim3A_44 : vector<16xi32> to vector<1x16xi32>
    tpu.vector_store %arg9[%swap3A_46, %swap3A_47], %swap3A_50 {strides = array<i32>} : memref<16x16xi32, #tpu.memory_space<vmem>>, vector<1x16xi32>,
    %add3A_51 = arith.constant 5 : i32
    %add3A_52 = arith.addi %mul3A_0, %add3A_51 : i32
    %broadcast_in_dim3A_53 = vector.broadcast %add3A_52 : i32 to vector<16xi32>
    %swap3A_54 = arith.constant 5 : i32
    %swap3A_55 = arith.index_cast %swap3A_54 : i32 to index
    %swap3A_56 = arith.constant 0 : index
    %swap3A_57 = tpu.vector_load %arg9[%swap3A_55, %swap3A_56] {strides = array<i32>} : memref<16x16xi32, #tpu.memory_space<vmem>>, vector<1x16xi32>,
    %swap3A_58 = vector.shape_cast %swap3A_57 : vector<1x16xi32> to vector<16xi32>
    %swap3A_59 = vector.shape_cast %broadcast_in_dim3A_53 : vector<16xi32> to vector<1x16xi32>
    tpu.vector_store %arg9[%swap3A_55, %swap3A_56], %swap3A_59 {strides = array<i32>} : memref<16x16xi32, #tpu.memory_space<vmem>>, vector<1x16xi32>,
    %add3A_60 = arith.constant 6 : i32
    %add3A_61 = arith.addi %mul3A_0, %add3A_60 : i32
    %broadcast_in_dim3A_62 = vector.broadcast %add3A_61 : i32 to vector<16xi32>
    %swap3A_63 = arith.constant 6 : i32
    %swap3A_64 = arith.index_cast %swap3A_63 : i32 to index
    %swap3A_65 = arith.constant 0 : index
    %swap3A_66 = tpu.vector_load %arg9[%swap3A_64, %swap3A_65] {strides = array<i32>} : memref<16x16xi32, #tpu.memory_space<vmem>>, vector<1x16xi32>,
    %swap3A_67 = vector.shape_cast %swap3A_66 : vector<1x16xi32> to vector<16xi32>
    %swap3A_68 = vector.shape_cast %broadcast_in_dim3A_62 : vector<16xi32> to vector<1x16xi32>
    tpu.vector_store %arg9[%swap3A_64, %swap3A_65], %swap3A_68 {strides = array<i32>} : memref<16x16xi32, #tpu.memory_space<vmem>>, vector<1x16xi32>,
    %add3A_69 = arith.constant 7 : i32
    %add3A_70 = arith.addi %mul3A_0, %add3A_69 : i32
    %broadcast_in_dim3A_71 = vector.broadcast %add3A_70 : i32 to vector<16xi32>
    %swap3A_72 = arith.constant 7 : i32
    %swap3A_73 = arith.index_cast %swap3A_72 : i32 to index
    %swap3A_74 = arith.constant 0 : index
    %swap3A_75 = tpu.vector_load %arg9[%swap3A_73, %swap3A_74] {strides = array<i32>} : memref<16x16xi32, #tpu.memory_space<vmem>>, vector<1x16xi32>,
    %swap3A_76 = vector.shape_cast %swap3A_75 : vector<1x16xi32> to vector<16xi32>
    %swap3A_77 = vector.shape_cast %broadcast_in_dim3A_71 : vector<16xi32> to vector<1x16xi32>
    tpu.vector_store %arg9[%swap3A_73, %swap3A_74], %swap3A_77 {strides = array<i32>} : memref<16x16xi32, #tpu.memory_space<vmem>>, vector<1x16xi32>,
    %add3A_78 = arith.constant 8 : i32
    %add3A_79 = arith.addi %mul3A_0, %add3A_78 : i32
    %broadcast_in_dim3A_80 = vector.broadcast %add3A_79 : i32 to vector<16xi32>
    %swap3A_81 = arith.constant 8 : i32
    %swap3A_82 = arith.index_cast %swap3A_81 : i32 to index
    %swap3A_83 = arith.constant 0 : index
    %swap3A_84 = tpu.vector_load %arg9[%swap3A_82, %swap3A_83] {strides = array<i32>} : memref<16x16xi32, #tpu.memory_space<vmem>>, vector<1x16xi32>,
    %swap3A_85 = vector.shape_cast %swap3A_84 : vector<1x16xi32> to vector<16xi32>
    %swap3A_86 = vector.shape_cast %broadcast_in_dim3A_80 : vector<16xi32> to vector<1x16xi32>
    tpu.vector_store %arg9[%swap3A_82, %swap3A_83], %swap3A_86 {strides = array<i32>} : memref<16x16xi32, #tpu.memory_space<vmem>>, vector<1x16xi32>,
    %add3A_87 = arith.constant 9 : i32
    %add3A_88 = arith.addi %mul3A_0, %add3A_87 : i32
    %broadcast_in_dim3A_89 = vector.broadcast %add3A_88 : i32 to vector<16xi32>
    %swap3A_90 = arith.constant 9 : i32
    %swap3A_91 = arith.index_cast %swap3A_90 : i32 to index
    %swap3A_92 = arith.constant 0 : index
    %swap3A_93 = tpu.vector_load %arg9[%swap3A_91, %swap3A_92] {strides = array<i32>} : memref<16x16xi32, #tpu.memory_space<vmem>>, vector<1x16xi32>,
    %swap3A_94 = vector.shape_cast %swap3A_93 : vector<1x16xi32> to vector<16xi32>
    %swap3A_95 = vector.shape_cast %broadcast_in_dim3A_89 : vector<16xi32> to vector<1x16xi32>
    tpu.vector_store %arg9[%swap3A_91, %swap3A_92], %swap3A_95 {strides = array<i32>} : memref<16x16xi32, #tpu.memory_space<vmem>>, vector<1x16xi32>,
    %add3A_96 = arith.constant 10 : i32
    %add3A_97 = arith.addi %mul3A_0, %add3A_96 : i32
    %broadcast_in_dim3A_98 = vector.broadcast %add3A_97 : i32 to vector<16xi32>
    %swap3A_99 = arith.constant 10 : i32
    %swap3A_100 = arith.index_cast %swap3A_99 : i32 to index
    %swap3A_101 = arith.constant 0 : index
    %swap3A_102 = tpu.vector_load %arg9[%swap3A_100, %swap3A_101] {strides = array<i32>} : memref<16x16xi32, #tpu.memory_space<vmem>>, vector<1x16xi32>,
    %swap3A_103 = vector.shape_cast %swap3A_102 : vector<1x16xi32> to vector<16xi32>
    %swap3A_104 = vector.shape_cast %broadcast_in_dim3A_98 : vector<16xi32> to vector<1x16xi32>
    tpu.vector_store %arg9[%swap3A_100, %swap3A_101], %swap3A_104 {strides = array<i32>} : memref<16x16xi32, #tpu.memory_space<vmem>>, vector<1x16xi32>,
    %add3A_105 = arith.constant 11 : i32
    %add3A_106 = arith.addi %mul3A_0, %add3A_105 : i32
    %broadcast_in_dim3A_107 = vector.broadcast %add3A_106 : i32 to vector<16xi32>
    %swap3A_108 = arith.constant 11 : i32
    %swap3A_109 = arith.index_cast %swap3A_108 : i32 to index
    %swap3A_110 = arith.constant 0 : index
    %swap3A_111 = tpu.vector_load %arg9[%swap3A_109, %swap3A_110] {strides = array<i32>} : memref<16x16xi32, #tpu.memory_space<vmem>>, vector<1x16xi32>,
    %swap3A_112 = vector.shape_cast %swap3A_111 : vector<1x16xi32> to vector<16xi32>
    %swap3A_113 = vector.shape_cast %broadcast_in_dim3A_107 : vector<16xi32> to vector<1x16xi32>
    tpu.vector_store %arg9[%swap3A_109, %swap3A_110], %swap3A_113 {strides = array<i32>} : memref<16x16xi32, #tpu.memory_space<vmem>>, vector<1x16xi32>,
    %add3A_114 = arith.constant 12 : i32
    %add3A_115 = arith.addi %mul3A_0, %add3A_114 : i32
    %broadcast_in_dim3A_116 = vector.broadcast %add3A_115 : i32 to vector<16xi32>
    %swap3A_117 = arith.constant 12 : i32
    %swap3A_118 = arith.index_cast %swap3A_117 : i32 to index
    %swap3A_119 = arith.constant 0 : index
    %swap3A_120 = tpu.vector_load %arg9[%swap3A_118, %swap3A_119] {strides = array<i32>} : memref<16x16xi32, #tpu.memory_space<vmem>>, vector<1x16xi32>,
    %swap3A_121 = vector.shape_cast %swap3A_120 : vector<1x16xi32> to vector<16xi32>
    %swap3A_122 = vector.shape_cast %broadcast_in_dim3A_116 : vector<16xi32> to vector<1x16xi32>
    tpu.vector_store %arg9[%swap3A_118, %swap3A_119], %swap3A_122 {strides = array<i32>} : memref<16x16xi32, #tpu.memory_space<vmem>>, vector<1x16xi32>,
    %add3A_123 = arith.constant 13 : i32
    %add3A_124 = arith.addi %mul3A_0, %add3A_123 : i32
    %broadcast_in_dim3A_125 = vector.broadcast %add3A_124 : i32 to vector<16xi32>
    %swap3A_126 = arith.constant 13 : i32
    %swap3A_127 = arith.index_cast %swap3A_126 : i32 to index
    %swap3A_128 = arith.constant 0 : index
    %swap3A_129 = tpu.vector_load %arg9[%swap3A_127, %swap3A_128] {strides = array<i32>} : memref<16x16xi32, #tpu.memory_space<vmem>>, vector<1x16xi32>,
    %swap3A_130 = vector.shape_cast %swap3A_129 : vector<1x16xi32> to vector<16xi32>
    %swap3A_131 = vector.shape_cast %broadcast_in_dim3A_125 : vector<16xi32> to vector<1x16xi32>
    tpu.vector_store %arg9[%swap3A_127, %swap3A_128], %swap3A_131 {strides = array<i32>} : memref<16x16xi32, #tpu.memory_space<vmem>>, vector<1x16xi32>,
    %add3A_132 = arith.constant 14 : i32
    %add3A_133 = arith.addi %mul3A_0, %add3A_132 : i32
    %broadcast_in_dim3A_134 = vector.broadcast %add3A_133 : i32 to vector<16xi32>
    %swap3A_135 = arith.constant 14 : i32
    %swap3A_136 = arith.index_cast %swap3A_135 : i32 to index
    %swap3A_137 = arith.constant 0 : index
    %swap3A_138 = tpu.vector_load %arg9[%swap3A_136, %swap3A_137] {strides = array<i32>} : memref<16x16xi32, #tpu.memory_space<vmem>>, vector<1x16xi32>,
    %swap3A_139 = vector.shape_cast %swap3A_138 : vector<1x16xi32> to vector<16xi32>
    %swap3A_140 = vector.shape_cast %broadcast_in_dim3A_134 : vector<16xi32> to vector<1x16xi32>
    tpu.vector_store %arg9[%swap3A_136, %swap3A_137], %swap3A_140 {strides = array<i32>} : memref<16x16xi32, #tpu.memory_space<vmem>>, vector<1x16xi32>,
    %add3A_141 = arith.constant 15 : i32
    %add3A_142 = arith.addi %mul3A_0, %add3A_141 : i32
    %broadcast_in_dim3A_143 = vector.broadcast %add3A_142 : i32 to vector<16xi32>
    %swap3A_144 = arith.constant 15 : i32
    %swap3A_145 = arith.index_cast %swap3A_144 : i32 to index
    %swap3A_146 = arith.constant 0 : index
    %swap3A_147 = tpu.vector_load %arg9[%swap3A_145, %swap3A_146] {strides = array<i32>} : memref<16x16xi32, #tpu.memory_space<vmem>>, vector<1x16xi32>,
    %swap3A_148 = vector.shape_cast %swap3A_147 : vector<1x16xi32> to vector<16xi32>
    %swap3A_149 = vector.shape_cast %broadcast_in_dim3A_143 : vector<16xi32> to vector<1x16xi32>
    tpu.vector_store %arg9[%swap3A_145, %swap3A_146], %swap3A_149 {strides = array<i32>} : memref<16x16xi32, #tpu.memory_space<vmem>>, vector<1x16xi32>,
    %mul3A_150 = arith.constant 16 : i32
    %mul3A_151 = arith.muli %arg1, %mul3A_150 : i32
    "tpu.region"() ({
      %run_scoped3A = tpu.sem_alloc : memref<!tpu.dma_semaphore, #tpu.memory_space<semaphore_mem>>
      %dma_start3A_194 = arith.constant 0 : i32
      %dma_start3A_195 = arith.constant 0 : i32
      %dma_start3A_196 = tpu.memref_slice %arg9[%dma_start3A_194, %dma_start3A_195] : memref<16x16xi32, #tpu.memory_space<vmem>> -> memref<1x16xi32, #tpu.memory_space<vmem>>
      %dma_start3A_197 = arith.constant 0 : i32
      %dma_start3A_198 = tpu.memref_slice %arg13[%mul3A_151, %dma_start3A_197] : memref<256x16xi32, #tpu.memory_space<hbm>> -> memref<1x16xi32, #tpu.memory_space<hbm>>
      %dma_start3A_199 = arith.constant 0 : i32
      %dma_start3A_200 = tpu.memref_slice %arg13[%mul3A_151, %dma_start3A_199] : memref<256x16xi32, #tpu.memory_space<hbm>> -> memref<1x16xi32, #tpu.memory_space<hbm>>
      %dma_start3A_201 = arith.constant 0 : i32
      %dma_start3A_202 = arith.constant 0 : i32
      %dma_start3A_203 = tpu.memref_slice %arg9[%dma_start3A_201, %dma_start3A_202] : memref<16x16xi32, #tpu.memory_space<vmem>> -> memref<1x16xi32, #tpu.memory_space<vmem>>
      tpu.enqueue_dma source(%dma_start3A_203 : memref<1x16xi32, #tpu.memory_space<vmem>>) target(%dma_start3A_200 : memref<1x16xi32, #tpu.memory_space<hbm>>) target_semaphore(%run_scoped3A : memref<!tpu.dma_semaphore, #tpu.memory_space<semaphore_mem>>)
      %dma_wait3A_204 = arith.constant 0 : i32
      %dma_wait3A_205 = arith.constant 0 : i32
      %dma_wait3A_206 = tpu.memref_slice %arg9[%dma_wait3A_204, %dma_wait3A_205] : memref<16x16xi32, #tpu.memory_space<vmem>> -> memref<1x16xi32, #tpu.memory_space<vmem>>
      %dma_wait3A_207 = arith.constant 0 : i32
      %dma_wait3A_208 = tpu.memref_slice %arg13[%mul3A_151, %dma_wait3A_207] : memref<256x16xi32, #tpu.memory_space<hbm>> -> memref<1x16xi32, #tpu.memory_space<hbm>>
      %dma_wait3A_209 = arith.constant 0 : i32
      %dma_wait3A_210 = tpu.memref_slice %arg13[%mul3A_151, %dma_wait3A_209] : memref<256x16xi32, #tpu.memory_space<hbm>> -> memref<1x16xi32, #tpu.memory_space<hbm>>
      %dma_wait3A_211 = arith.constant 0 : i32
      %dma_wait3A_212 = arith.constant 0 : i32
      %dma_wait3A_213 = tpu.memref_slice %arg9[%dma_wait3A_211, %dma_wait3A_212] : memref<16x16xi32, #tpu.memory_space<vmem>> -> memref<1x16xi32, #tpu.memory_space<vmem>>
      tpu.wait_dma2 semaphore(%run_scoped3A : memref<!tpu.dma_semaphore, #tpu.memory_space<semaphore_mem>>) src(%dma_wait3A_213 : memref<1x16xi32, #tpu.memory_space<vmem>>) dst(%dma_wait3A_210 : memref<1x16xi32, #tpu.memory_space<hbm>>)
      tpu.yield
    }) : () -> ()
    %dma_start3A = arith.constant 0 : i32
    %dma_start3A_152 = arith.constant 0 : i32
    %dma_start3A_153 = tpu.memref_slice %arg13[%dma_start3A, %dma_start3A_152] : memref<256x16xi32, #tpu.memory_space<hbm>> -> memref<256x16xi32, #tpu.memory_space<hbm>>
    tpu.enqueue_indirect_dma source(%arg9 : memref<16x16xi32, #tpu.memory_space<vmem>>) target(%dma_start3A_153 : memref<256x16xi32, #tpu.memory_space<hbm>>) offsets(%arg8 : memref<16xi32, #tpu.memory_space<vmem>>) semaphore(%arg14 : memref<!tpu.dma_semaphore, #tpu.memory_space<semaphore_mem>>)
    %dma_wait3A = arith.constant 0 : i32
    %dma_wait3A_154 = arith.constant 0 : i32
    %dma_wait3A_155 = tpu.memref_slice %arg13[%dma_wait3A, %dma_wait3A_154] : memref<256x16xi32, #tpu.memory_space<hbm>> -> memref<256x16xi32, #tpu.memory_space<hbm>>
    tpu.wait_indirect_dma semaphore(%arg14 : memref<!tpu.dma_semaphore, #tpu.memory_space<semaphore_mem>>) src(%arg9 : memref<16x16xi32, #tpu.memory_space<vmem>>) dst(%dma_wait3A_155 : memref<256x16xi32, #tpu.memory_space<hbm>>)
    %mul3A_156 = arith.constant 16 : i32
    %mul3A_157 = arith.muli %arg1, %mul3A_156 : i32
    "tpu.region"() ({
      %run_scoped3A = tpu.sem_alloc : memref<!tpu.dma_semaphore, #tpu.memory_space<semaphore_mem>>
      %dma_start3A_194 = arith.constant 0 : i32
      %dma_start3A_195 = tpu.memref_slice %arg13[%mul3A_157, %dma_start3A_194] : memref<256x16xi32, #tpu.memory_space<hbm>> -> memref<1x16xi32, #tpu.memory_space<hbm>>
      %dma_start3A_196 = tpu.memref_squeeze %dma_start3A_195 : memref<1x16xi32, #tpu.memory_space<hbm>> -> memref<16xi32, #tpu.memory_space<hbm>>
      %dma_start3A_197 = arith.constant 0 : i32
      %dma_start3A_198 = tpu.memref_slice %arg13[%mul3A_157, %dma_start3A_197] : memref<256x16xi32, #tpu.memory_space<hbm>> -> memref<1x16xi32, #tpu.memory_space<hbm>>
      %dma_start3A_199 = tpu.memref_squeeze %dma_start3A_198 : memref<1x16xi32, #tpu.memory_space<hbm>> -> memref<16xi32, #tpu.memory_space<hbm>>
      tpu.enqueue_dma source(%dma_start3A_199 : memref<16xi32, #tpu.memory_space<hbm>>) target(%arg10 : memref<16xi32, #tpu.memory_space<vmem>>) target_semaphore(%run_scoped3A : memref<!tpu.dma_semaphore, #tpu.memory_space<semaphore_mem>>)
      %dma_wait3A_200 = arith.constant 0 : i32
      %dma_wait3A_201 = tpu.memref_slice %arg13[%mul3A_157, %dma_wait3A_200] : memref<256x16xi32, #tpu.memory_space<hbm>> -> memref<1x16xi32, #tpu.memory_space<hbm>>
      %dma_wait3A_202 = tpu.memref_squeeze %dma_wait3A_201 : memref<1x16xi32, #tpu.memory_space<hbm>> -> memref<16xi32, #tpu.memory_space<hbm>>
      %dma_wait3A_203 = arith.constant 0 : i32
      %dma_wait3A_204 = tpu.memref_slice %arg13[%mul3A_157, %dma_wait3A_203] : memref<256x16xi32, #tpu.memory_space<hbm>> -> memref<1x16xi32, #tpu.memory_space<hbm>>
      %dma_wait3A_205 = tpu.memref_squeeze %dma_wait3A_204 : memref<1x16xi32, #tpu.memory_space<hbm>> -> memref<16xi32, #tpu.memory_space<hbm>>
      tpu.wait_dma2 semaphore(%run_scoped3A : memref<!tpu.dma_semaphore, #tpu.memory_space<semaphore_mem>>) src(%dma_wait3A_205 : memref<16xi32, #tpu.memory_space<hbm>>) dst(%arg10 : memref<16xi32, #tpu.memory_space<vmem>>)
      tpu.yield
    }) : () -> ()
    %dma_start3A_158 = arith.constant 0 : i32
    %dma_start3A_159 = tpu.memref_slice %arg10[%dma_start3A_158] : memref<16xi32, #tpu.memory_space<vmem>> -> memref<1xi32, #tpu.memory_space<vmem>>
    %dma_start3A_160 = arith.constant 0 : i32
    %dma_start3A_161 = arith.constant 0 : i32
    %dma_start3A_162 = tpu.memref_slice %arg3[%dma_start3A_160, %dma_start3A_161] : memref<256x1024xf32, #tpu.memory_space<hbm>> -> memref<256x1024xf32, #tpu.memory_space<hbm>>
    tpu.enqueue_indirect_dma source(%dma_start3A_162 : memref<256x1024xf32, #tpu.memory_space<hbm>>) target(%arg11 : memref<1x1024xf32, #tpu.memory_space<vmem>>) offsets(%dma_start3A_159 : memref<1xi32, #tpu.memory_space<vmem>>) semaphore(%arg14 : memref<!tpu.dma_semaphore, #tpu.memory_space<semaphore_mem>>)
    %dma_start3A_163 = arith.constant 0 : i32
    %dma_start3A_164 = tpu.memref_slice %arg10[%dma_start3A_163] : memref<16xi32, #tpu.memory_space<vmem>> -> memref<1xi32, #tpu.memory_space<vmem>>
    %dma_start3A_165 = arith.constant 0 : i32
    %dma_start3A_166 = arith.constant 0 : i32
    %dma_start3A_167 = tpu.memref_slice %arg4[%dma_start3A_165, %dma_start3A_166] : memref<256x1024xf32, #tpu.memory_space<hbm>> -> memref<256x1024xf32, #tpu.memory_space<hbm>>
    tpu.enqueue_indirect_dma source(%dma_start3A_167 : memref<256x1024xf32, #tpu.memory_space<hbm>>) target(%arg12 : memref<1x1024xf32, #tpu.memory_space<vmem>>) offsets(%dma_start3A_164 : memref<1xi32, #tpu.memory_space<vmem>>) semaphore(%arg14 : memref<!tpu.dma_semaphore, #tpu.memory_space<semaphore_mem>>)
    %dma_wait3A_168 = arith.constant 0 : i32
    %dma_wait3A_169 = tpu.memref_slice %arg10[%dma_wait3A_168] : memref<16xi32, #tpu.memory_space<vmem>> -> memref<1xi32, #tpu.memory_space<vmem>>
    %dma_wait3A_170 = arith.constant 0 : i32
    %dma_wait3A_171 = arith.constant 0 : i32
    %dma_wait3A_172 = tpu.memref_slice %arg3[%dma_wait3A_170, %dma_wait3A_171] : memref<256x1024xf32, #tpu.memory_space<hbm>> -> memref<256x1024xf32, #tpu.memory_space<hbm>>
    tpu.wait_indirect_dma semaphore(%arg14 : memref<!tpu.dma_semaphore, #tpu.memory_space<semaphore_mem>>) src(%dma_wait3A_172 : memref<256x1024xf32, #tpu.memory_space<hbm>>) dst(%arg11 : memref<1x1024xf32, #tpu.memory_space<vmem>>)
    %dma_wait3A_173 = arith.constant 0 : i32
    %dma_wait3A_174 = tpu.memref_slice %arg10[%dma_wait3A_173] : memref<16xi32, #tpu.memory_space<vmem>> -> memref<1xi32, #tpu.memory_space<vmem>>
    %dma_wait3A_175 = arith.constant 0 : i32
    %dma_wait3A_176 = arith.constant 0 : i32
    %dma_wait3A_177 = tpu.memref_slice %arg4[%dma_wait3A_175, %dma_wait3A_176] : memref<256x1024xf32, #tpu.memory_space<hbm>> -> memref<256x1024xf32, #tpu.memory_space<hbm>>
    tpu.wait_indirect_dma semaphore(%arg14 : memref<!tpu.dma_semaphore, #tpu.memory_space<semaphore_mem>>) src(%dma_wait3A_177 : memref<256x1024xf32, #tpu.memory_space<hbm>>) dst(%arg12 : memref<1x1024xf32, #tpu.memory_space<vmem>>)
    %dma_start3A_178 = arith.constant 0 : i32
    %dma_start3A_179 = tpu.memref_slice %arg5[%arg1, %dma_start3A_178] : memref<16x1024xf32, #tpu.memory_space<hbm>> -> memref<1x1024xf32, #tpu.memory_space<hbm>>
    %dma_start3A_180 = arith.constant 0 : i32
    %dma_start3A_181 = tpu.memref_slice %arg5[%arg1, %dma_start3A_180] : memref<16x1024xf32, #tpu.memory_space<hbm>> -> memref<1x1024xf32, #tpu.memory_space<hbm>>
    tpu.enqueue_dma source(%arg11 : memref<1x1024xf32, #tpu.memory_space<vmem>>) target(%dma_start3A_181 : memref<1x1024xf32, #tpu.memory_space<hbm>>) target_semaphore(%arg14 : memref<!tpu.dma_semaphore, #tpu.memory_space<semaphore_mem>>)
    %dma_start3A_182 = arith.constant 0 : i32
    %dma_start3A_183 = tpu.memref_slice %arg6[%arg1, %dma_start3A_182] : memref<16x1024xf32, #tpu.memory_space<hbm>> -> memref<1x1024xf32, #tpu.memory_space<hbm>>
    %dma_start3A_184 = arith.constant 0 : i32
    %dma_start3A_185 = tpu.memref_slice %arg6[%arg1, %dma_start3A_184] : memref<16x1024xf32, #tpu.memory_space<hbm>> -> memref<1x1024xf32, #tpu.memory_space<hbm>>
    tpu.enqueue_dma source(%arg12 : memref<1x1024xf32, #tpu.memory_space<vmem>>) target(%dma_start3A_185 : memref<1x1024xf32, #tpu.memory_space<hbm>>) target_semaphore(%arg14 : memref<!tpu.dma_semaphore, #tpu.memory_space<semaphore_mem>>)
    %dma_wait3A_186 = arith.constant 0 : i32
    %dma_wait3A_187 = tpu.memref_slice %arg5[%arg1, %dma_wait3A_186] : memref<16x1024xf32, #tpu.memory_space<hbm>> -> memref<1x1024xf32, #tpu.memory_space<hbm>>
    %dma_wait3A_188 = arith.constant 0 : i32
    %dma_wait3A_189 = tpu.memref_slice %arg5[%arg1, %dma_wait3A_188] : memref<16x1024xf32, #tpu.memory_space<hbm>> -> memref<1x1024xf32, #tpu.memory_space<hbm>>
    tpu.wait_dma2 semaphore(%arg14 : memref<!tpu.dma_semaphore, #tpu.memory_space<semaphore_mem>>) src(%arg11 : memref<1x1024xf32, #tpu.memory_space<vmem>>) dst(%dma_wait3A_189 : memref<1x1024xf32, #tpu.memory_space<hbm>>)
    %dma_wait3A_190 = arith.constant 0 : i32
    %dma_wait3A_191 = tpu.memref_slice %arg6[%arg1, %dma_wait3A_190] : memref<16x1024xf32, #tpu.memory_space<hbm>> -> memref<1x1024xf32, #tpu.memory_space<hbm>>
    %dma_wait3A_192 = arith.constant 0 : i32
    %dma_wait3A_193 = tpu.memref_slice %arg6[%arg1, %dma_wait3A_192] : memref<16x1024xf32, #tpu.memory_space<hbm>> -> memref<1x1024xf32, #tpu.memory_space<hbm>>
    tpu.wait_dma2 semaphore(%arg14 : memref<!tpu.dma_semaphore, #tpu.memory_space<semaphore_mem>>) src(%arg12 : memref<1x1024xf32, #tpu.memory_space<vmem>>) dst(%dma_wait3A_193 : memref<1x1024xf32, #tpu.memory_space<hbm>>)
    return
  }
}

</mosaic_0001>

<sc_bundles>
// kernel: kernel.3.cloned.1.call-start
scs
__scs_entry_jumppad:
0x0: {  	(pc) =	sbr.rel $0x88, $3  }
0x1: {  	(tag) =	ssettag $0x0;
	lr =	simm.s32 $0x1  }
0x2: {  	[smem:$0x3F9E] =	sst lr;
	_ =	strace $0xD0000000  }
0x3: {  	_ = 	snop  }
0x4: {  	_ = 	snop  }
0x5: {  	_ = 	snop  }
0x6: {  	_ = 	snop  }
0x7: {  	_ = 	snop  }
__scs_overlays_trampoline_lowered:
0x8: {  	[smem:$0x3FAD] =	sst s0  }
0x9: {  	[smem:$0x3FAE] =	sst s1  }
0xa: {  	[smem:$0x3FAF] =	sst s2  }
0xb: {  	[smem:$0x3FB0] =	sst s3  }
0xc: {  	[smem:$0x3FB1] =	sst s4  }
0xd: {  	[smem:$0x3FB2] =	sst s5  }
0xe: {  	[smem:$0x3FB3] =	sst s6  }
0xf: {  	[smem:$0x3FB4] =	sst s7  }
0x10: {  	[smem:$0x3FB5] =	sst s8  }
0x11: {  	[smem:$0x3FB6] =	sst s9;
	s0 =	simm.s32 @!p0 $0x0  }
0x12: {  	s1 =	sld [smem:$0x3F9C];
	s0 =	simm.s32 @p0 $0x1  }
0x13: {  	[smem:$0x3FB7] =	sst s0;
	s0 =	simm.s32 @!p1 $0x0  }
0x14: {  	s2 =	sld [smem:$0x3F9B];
	s0 =	simm.s32 @p1 $0x1  }
0x15: {  	[smem:$0x3FB8] =	sst s0;
	s0 =	simm.s32 @!p2 $0x0  }
0x16: {  	s3 =	sld [smem:$0x3FDB];
	s0 =	simm.s32 @p2 $0x1  }
0x17: {  	s4 =	simm.s32 $0x1BF5;
	[smem:$0x3FBA] =	sst s0  }
0x18: {  	s0 =	sld [smem:$0x3F9D];
	_ =	swait.ge [sflag:s4], $0x0  }
0x19: {  	s7 =	sld [smem:$0x3F9E]  }
0x1a: {  	s8 =	sadd.s32 $0xFFFFE003, lr  }
0x1b: {  	s9 =	sadd.s32 $0xFFFFFEF7, lr;
	s5 =	simm.s32 $0xFFFFFFFF;
	p2 =	slt.u32 s8, $0xFFFFF086  }
0x1c: {  	p1 =	slt.u32 s9, $0xF7A;
	s5 =	simm.s32 @!p2 $0x0  }
0x1d: {  	s5 =	simm.s32 @p1 $0x1;
	p0 =	seq.s32 s7, s2  }
0x1e: {  	s7 =	smul.u32 @!p0 $0xF7A, s2;
	p2 =	seq.s32 @!p0 s5, $0x0  }
0x1f: {  	s9 =	smul.u32 $0xF7A, s1;
	s8 =	simm.s32 @!p0 $0x1BF5;
	p2 =	por !p2, p0  }
0x20: {  	[sflag:s8] =	ssyncset.s32 @!p0 $0xFFFFF086;
	s6 =	sadd.s32 @!p0 s3, s7;
	s7 =	simm.s32 @!p0 $0x108  }
0x21: {  	s3 =	sadd.s32 s3, s9;
	s6 =	sadd.s32 @!p0 $0x88, s6;
	s7 =	simm.s32 @p2 $0x1082  }
0x22: {  	[simem:s7], [sflag:s8] =	dma.local @!p0 [hbm:s6], $0xF7A  }
0x23: {  	s9 =	sor.u32 $0xD0000000, s2;
	s6 =	simm.s32 $0x108;
	_ =	swait.ge @!p0 [sflag:s8], $0x0  }
0x24: {  	s3 =	sadd.s32 $0x88, s3;
	s6 =	simm.s32 @!p1 $0x1082;
	[sflag:s4] =	ssyncset.s32 $0xFFFFF086  }
0x25: {  	[simem:s6], [sflag:s4] =	dma.local [hbm:s3], $0xF7A  }
0x26: {  	[smem:$0x3F9E] =	sst s1;
	(tag) =	ssettag s2;
	_ =	strace s9  }
0x27: {  	s1 =	sld [smem:$0x3FAE]  }
0x28: {  	s2 =	sld [smem:$0x3FAF]  }
0x29: {  	s4 =	sld [smem:$0x3FB1]  }
0x2a: {  	p0 =	seq.s32 s5, $0x0;
	s5 =	sld [smem:$0x3FB2]  }
0x2b: {  	s6 =	sld [smem:$0x3FB3]  }
0x2c: {  	s7 =	sld [smem:$0x3FB4]  }
0x2d: {  	s3 =	simm.s32 $0x108;
	s8 =	sld [smem:$0x3FB5]  }
0x2e: {  	s3 =	simm.s32 @!p0 $0x1082;
	s9 =	sld [smem:$0x3FB6]  }
0x2f: {  	lr =	sadd.s32 s0, s3;
	s0 =	sld [smem:$0x3FAD]  }
0x30: {  	s3 =	sld [smem:$0x3FB0]  }
0x31: {  	[smem:$0x3FB9] =	sst s10  }
0x32: {  	s10 =	sld [smem:$0x3FB7];
	_ =	sdelay $0x3  }
0x33: {  	p0 =	seq.s32 s10, $0x1;
	s10 =	sld [smem:$0x3FB9];
	_ =	sdelay $0x3  }
0x34: {  	[smem:$0x3FB9] =	sst s10  }
0x35: {  	s10 =	sld [smem:$0x3FB8];
	_ =	sdelay $0x3  }
0x36: {  	p1 =	seq.s32 s10, $0x1;
	s10 =	sld [smem:$0x3FB9];
	_ =	sdelay $0x3  }
0x37: {  	[smem:$0x3FB9] =	sst s10  }
0x38: {  	s10 =	sld [smem:$0x3FBA]  }
0x39: {  	_ = 	snop;
	(pc) =	sbr.ind lr, $3  }
0x3a: {  	_ = 	snop  }
0x3b: {  	_ = 	snop  }
0x3c: {  	p2 =	seq.s32 s10, $0x1;
	s10 =	sld [smem:$0x3FB9]  }
0x3d: {  	_ =	shalt  }
0x3e: {  	_ =	shalt  }
0x3f: {  	_ =	shalt  }
0x40: {  	_ =	shalt  }
0x41: {  	_ =	shalt  }
0x42: {  	_ =	shalt  }
0x43: {  	_ =	shalt  }
0x44: {  	_ =	shalt  }
0x45: {  	_ =	shalt  }
0x46: {  	_ =	shalt  }
0x47: {  	_ =	shalt  }
0x48: {  	_ =	shalt  }
0x49: {  	_ =	shalt  }
0x4a: {  	_ =	shalt  }
0x4b: {  	_ =	shalt  }
0x4c: {  	_ =	shalt  }
0x4d: {  	_ =	shalt  }
0x4e: {  	_ =	shalt  }
0x4f: {  	_ =	shalt  }
0x50: {  	_ =	shalt  }
0x51: {  	_ =	shalt  }
0x52: {  	_ =	shalt  }
0x53: {  	_ =	shalt  }
0x54: {  	_ =	shalt  }
0x55: {  	_ =	shalt  }
0x56: {  	_ =	shalt  }
0x57: {  	_ =	shalt  }
0x58: {  	_ =	shalt  }
0x59: {  	_ =	shalt  }
0x5a: {  	_ =	shalt  }
0x5b: {  	_ =	shalt  }
0x5c: {  	_ =	shalt  }
0x5d: {  	_ =	shalt  }
0x5e: {  	_ =	shalt  }
0x5f: {  	_ =	shalt  }
0x60: {  	_ =	shalt  }
0x61: {  	_ =	shalt  }
0x62: {  	_ =	shalt  }
0x63: {  	_ =	shalt  }
0x64: {  	_ =	shalt  }
0x65: {  	_ =	shalt  }
0x66: {  	_ =	shalt  }
0x67: {  	_ =	shalt  }
0x68: {  	_ =	shalt  }
0x69: {  	_ =	shalt  }
0x6a: {  	_ =	shalt  }
0x6b: {  	_ =	shalt  }
0x6c: {  	_ =	shalt  }
0x6d: {  	_ =	shalt  }
0x6e: {  	_ =	shalt  }
0x6f: {  	_ =	shalt  }
0x70: {  	_ =	shalt  }
0x71: {  	_ =	shalt  }
0x72: {  	_ =	shalt  }
0x73: {  	_ =	shalt  }
0x74: {  	_ =	shalt  }
0x75: {  	_ =	shalt  }
0x76: {  	_ =	shalt  }
0x77: {  	_ =	shalt  }
0x78: {  	_ =	shalt  }
0x79: {  	_ =	shalt  }
0x7a: {  	_ =	shalt  }
0x7b: {  	_ =	shalt  }
0x7c: {  	_ =	shalt  }
0x7d: {  	_ =	shalt  }
0x7e: {  	_ =	shalt  }
0x7f: {  	_ =	shalt  }
0x80: {  	_ =	shalt  }
0x81: {  	_ =	shalt  }
0x82: {  	_ =	shalt  }
0x83: {  	_ =	shalt  }
0x84: {  	_ =	shalt  }
0x85: {  	_ =	shalt  }
0x86: {  	_ =	shalt  }
0x87: {  	_ =	shalt  }
.Lfunc_end0:
.L_simem_size_0:
called_computation_lowered:
.L_overlay_start_0:
0x88: {  	s0 =	sld [smem:$0x3FD9]  }
0x89: {  	s1 =	sld [smem:$0x3FFE];
	_ =	sdelay $0x3  }
0x8a: {  	s0 =	sadd.s32 s1, s0  }
0x8b: {  	[smem:$0x3FC5] =	sst s0  }
0x8c: {  	_ = 	snop  }
0x8d: {  	s13 =	sld [smem:$0x3FD0]  }
0x8e: {  	s2 =	sld [smem:$0x3FC9]  }
0x8f: {  	s3 =	sld [smem:$0x3FC8]  }
0x90: {  	s5 =	simm.s32 $0xA;
	s6 =	simm.s32 $0x10;
	s4 =	sld [smem:$0x3FC7]  }
0x91: {  	[smem:s6], [sflag:s5] =	dma.local [hbm:s13], $0x1  }
0x92: {  	_ =	swait.eq [sflag:s5], $0x1  }
0x93: {  	[sflag:s5] =	ssyncset.done $0x0  }
0x94: {  	[sflag:s5] =	ssyncadd.s32 $0xFFFFFFFF  }
0x95: {  	s14 =	sld [smem:$0x11];
	(tm) =	ssettm $0x1  }
0x96: {  	s15 =	sld [smem:$0x3FFB];
	_ =	sdelay $0x3  }
0x97: {  	_ =	strace s15  }
0x98: {  	s5 =	sld [smem:$0x3FFC];
	_ =	sdelay $0x3  }
0x99: {  	_ =	strace s5  }
0x9a: {  	s5 =	sld [smem:$0x3FFD];
	_ =	sdelay $0x3  }
0x9b: {  	_ =	strace s5  }
0x9c: {  	_ =	strace $0x8FFFFFFF  }
0x9d: {  	s16 =	sld [smem:$0x3FDB];
	_ =	sdelay $0x1  }
0x9e: {  	s17 =	simm.s32 $_scs_section_size  }
0x9f: {  	s7 =	simm.s32 $_size__tile_overlayer_lowered;
	s8 =	simm.s32 $_tile_overlayer_lowered  }
0xa0: {  	s20 =	simm.s32 $0x1BFF;
	s19 =	sshll.u32 s8, $0x1;
	s5 =	sadd.s32 s17, s16  }
0xa1: {  	s9 =	simm.s32 $0x0;
	s18 =	sshll.u32 s7, $0x1;
	s7 =	sadd.s32 s19, s5  }
0xa2: {  	[timem:s9], [sflag:s20] =	dma.local [hbm:s7], s18  }
0xa3: {  	_ =	swait.ge [sflag:s20], s18  }
0xa4: {  	s6 =	ssub.s32 $0x0, s18;
	[sflag:s20] =	ssyncset.done $0x0  }
0xa5: {  	[sflag:s20] =	ssyncadd.s32 s6;
	_ =	sdelay $0x1  }
0xa6: {  	s21 =	simm.s32 $0x1B8B  }
0xa7: {  	_ =	swait.ge [sflag:s21], $0x1  }
0xa8: {  	[sflag:s21] =	ssyncset.done $0x0  }
0xa9: {  	s23 =	simm.s32 $0x1B8E;
	s22 =	sld [smem:$0x3FFE];
	[sflag:s21] =	ssyncadd.s32 $0xFFFFFFFF  }
0xaa: {  	s24 =	simm.s32 $execute0_lowered;
	[smem:$0x3FD2] =	sst s23  }
0xab: {  	s7 =	sshll.u32 s24, $0x1;
	_ =	strace $0x80000046;
	[dreg:$0x1] =	wrdreg $0xFFFFFFFF  }
0xac: {  	s25 =	simm.s32 $_size_execute0_lowered;
	s5 =	sadd.s32 s5, s7;
	[dreg:$0x0] =	wrdreg $0x0  }
0xad: {  	s7 =	sshll.u32 s25, $0x1;
	[dreg:$0x2] =	wrdreg s5  }
0xae: {  	[dreg:$0x3] =	wrdreg s7  }
0xaf: {  	[dreg:$0x4] =	wrdreg $0xC0  }
0xb0: {  	_ =	task [dreg:s9], $0x5FFFF  }
0xb1: {  	[dreg:$0x1] =	wrdreg $0xFFFFFFFF  }
0xb2: {  	[dreg:$0x0] =	wrdreg $0x60  }
0xb3: {  	[dreg:$0x2] =	wrdreg s2  }
0xb4: {  	[dreg:$0x3] =	wrdreg s3  }
0xb5: {  	[dreg:$0x4] =	wrdreg s4  }
0xb6: {  	[dreg:$0x5] =	wrdreg s14  }
0xb7: {  	s0 =	sadd.s32 $0x400, s0;
	[dreg:$0x6] =	wrdreg s22  }
0xb8: {  	[dreg:$0x7] =	wrdreg s0  }
0xb9: {  	[dreg:$0x8] =	wrdreg $0x9  }
0xba: {  	_ =	task.clear_ibuf [dreg:s9], $0x9FFFF;
	_ =	strace $0x90000046  }
0xbb: {  	s26 =	simm.s32 $0x9;
	_ =	strace $0x80000048  }
0xbc: {  	_ =	swait.ge [sflag:s26], $0x1  }
0xbd: {  	[sflag:s26] =	ssyncadd.s32 $0xFFFFFFFF  }
0xbe: {  	_ =	strace $0x90000048  }
0xbf: {  	_ =	sfence  }
0xc0: {  	s28 =	sld [smem:$0x0];
	_ =	sdelay $0x1  }
0xc1: {  	s29 =	srdreg.scid  }
0xc2: {  	s30 =	sshll.u32 s29, $0xD;
	s31 =	sshrl.u32 s29, $0x2  }
0xc3: {  	s1 =	sand.u32 $0x1, s29;
	s2 =	sand.u32 $0x4000, s30;
	s0 =	sadd.s32 s31, s28  }
0xc4: {  	s1 =	sor.u32 s2, s1;
	s0 =	sshll.u32 s0, $0x11  }
0xc5: {  	s0 =	sor.u32 s0, s1  }
0xc6: {  	s0 =	sadd.s32 $0x8F2B, s0  }
0xc7: {  	[sflag:s0] =	ssyncadd.remote.s32 $0x1  }
0xc8: {  	_ =	sfence.sel $0xFFFF  }
0xc9: {  	[dreg:$0x0] =	wrdreg $0xFFFFFFFF;
	(pc) =	sbr.abs _section_cstart, $3  }
0xca: {  	[dreg:$0x1] =	wrdreg $0xFFFFFFFF  }
0xcb: {  	_ =	task.clear_ibuf [dreg:s9], $0x2FFFF;
	_ =	strace $0x9FFFFFFF  }
0xcc: {  	(tm) =	ssettm $0x7FFFFFFF  }
0xcd: {  	_ =	shalt  }
tec
execute0_lowered:
.L_overlay_start_1:
0x0: {  	(tag) =	ssettag $0x1  }
0x1: {  	s1 =	rddreg [dreg:$0x0]  }
0x2: {  	s6 =	rddreg [dreg:$0x1]  }
0x3: {  	s4 =	rddreg [dreg:$0x2]  }
0x4: {  	s2 =	rddreg [dreg:$0x3]  }
0x5: {  	s3 =	rddreg [dreg:$0x4]  }
0x6: {  	s9 =	rddreg [dreg:$0x5];
	s5 =	simm.s32 $0x0  }
0x7: {  	[smem:$0x7FF] =	sst s5  }
0x8: {  	s0 =	rddreg [dreg:$0x6];
	s8 =	simm.s32 $0x2;
	_ =	strace $0x80000047  }
0x9: {  	[tilespmem:s5], [sflag:$0x2] =	stream.linear.gather [hbm4b:s1+s5], $0x80, $0x38;
	[tilespmem:$0x1180] =	vst v63  }
0xa: {  	s1 =	stileid.u32;
	_ =	swait.ge [sflag:s8], $0x80  }
0xb: {  	s7 =	sshll.u32 s1, $0x4;
	[sflag:s8] =	ssyncset.done $0x0  }
0xc: {  	v1 =	vmov s7;
	s10 =	sor.u32 $0x1, s7;
	[sflag:s8] =	ssyncadd.s32 $0xFFFFFF80  }
0xd: {  	s30 =	sor.u32 $0x2, s7;
	v46 =	vmov s10;
	[tilespmem:$0x100] =	vst v1  }
0xe: {  	s31 =	sor.u32 $0x3, s7;
	v47 =	vmov s30;
	[tilespmem:$0x180] =	vst v46  }
0xf: {  	s11 =	sor.u32 $0x4, s7;
	v48 =	vmov s31;
	[tilespmem:$0x200] =	vst v47  }
0x10: {  	s12 =	sor.u32 $0x5, s7;
	v49 =	vmov s11;
	[tilespmem:$0x280] =	vst v48  }
0x11: {  	s13 =	sor.u32 $0x6, s7;
	v50 =	vmov s12;
	[tilespmem:$0x300] =	vst v49  }
0x12: {  	s14 =	sor.u32 $0x7, s7;
	v51 =	vmov s13;
	[tilespmem:$0x380] =	vst v50  }
0x13: {  	s15 =	sor.u32 $0x8, s7;
	v52 =	vmov s14;
	[tilespmem:$0x400] =	vst v51  }
0x14: {  	s16 =	sor.u32 $0x9, s7;
	v53 =	vmov s15;
	[tilespmem:$0x480] =	vst v52  }
0x15: {  	s17 =	sor.u32 $0xA, s7;
	v54 =	vmov s16;
	[tilespmem:$0x500] =	vst v53  }
0x16: {  	s18 =	sor.u32 $0xB, s7;
	v55 =	vmov s17;
	[tilespmem:$0x580] =	vst v54  }
0x17: {  	s19 =	sor.u32 $0xC, s7;
	v56 =	vmov s18;
	v0 =	vld [tilespmem:$0x0];
	[tilespmem:$0x600] =	vst v55  }
0x18: {  	s20 =	sor.u32 $0xD, s7;
	v57 =	vmov s19;
	[tilespmem:$0x680] =	vst v56  }
0x19: {  	s21 =	sor.u32 $0xE, s7;
	v58 =	vmov s20;
	[tilespmem:$0x700] =	vst v57  }
0x1a: {  	s22 =	sshllo.u32 s1, $0x4;
	v59 =	vmov s21;
	[tilespmem:$0x780] =	vst v58  }
0x1b: {  	v60 =	vmov s22;
	[tilespmem:$0x800] =	vst v59  }
0x1c: {  	s23 =	sshll.u32 s1, $0x8;
	[tilespmem:$0x880] =	vst v60;
	v0 =	vadd.s32 s7, v0  }
0x1d: {  	s10 =	sadd.s32 s23, s9;
	s11 =	simm.s32 $0x100;
	[tilespmem:$0x80] =	vst v0  }
0x1e: {  	[hbm4b:s10+s5] =	stream.linear.scatter [tilespmem:s11], [sflag:$0x2], $0x80, $0x38;
	[tilespmem:$0x1180] =	vst v63  }
0x1f: {  	_ =	swait.ge [sflag:s8], $0x80  }
0x20: {  	s24 =	simm.s32 $0x1;
	[sflag:s8] =	ssyncset.done $0x0  }
0x21: {  	s12 =	simm.s32 $0x10;
	s13 =	simm.s32 $0x80;
	[sflag:s8] =	ssyncadd.s32 $0xFFFFFF80  }
0x22: {  	[hbm4b:s9+s12] =	stream.indirect.scatter [tilespmem:s11], [sflag:$0x1], $0x10, s13, s12, $0xb8;
	[tilespmem:$0x1180] =	vst v63  }
0x23: {  	_ =	swait.ge [sflag:s24], $0x100  }
0x24: {  	[sflag:s24] =	ssyncset.done $0x0  }
0x25: {  	s25 =	simm.s32 $0x900;
	[sflag:s24] =	ssyncadd.s32 $0xFFFFFF00  }
0x26: {  	[tilespmem:s25], [sflag:$0x2] =	stream.linear.gather [hbm4b:s10+s5], $0x80, $0x38;
	[tilespmem:$0x1180] =	vst v63  }
0x27: {  	_ =	swait.ge [sflag:s8], $0x80  }
0x28: {  	[sflag:s8] =	ssyncset.done $0x0  }
0x29: {  	[sflag:s8] =	ssyncadd.s32 $0xFFFFFF80  }
0x2a: {  	v61 =	vld.msk [tilespmem:$0x900], $0x1;
	_ =	sdelay $0x4  }
0x2b: {  	v62 =	vshll.u32 v61, $0x3  }
0x2c: {  	v0 =	vand.u32 $0x7, v61;
	v1 =	vand.u32 $0xFFFFFFC0, v62  }
0x2d: {  	v63 =	vimm.s32 $0x0;
	v2 =	vlaneseq.u32;
	v0 =	vor.u32 v0, v1  }
0x2e: {  	v2 =	vmul.u32 $0x8, v2;
	v0 =	vperm.xlane v0, v63;
	_ =	sdelay $0x1  }
0x2f: {  	v0 =	vadd.s32 v2, v0;
	_ =	sdelay $0x3  }
0x30: {  	vm0 =	vmmov $0xff;
	s26 =	simm.s32 $0x980  }
0x31: {  	[tilespmem:s26], [sflag:$0x1] =	stream.indirect_vreg.gather [hbm4b:s6+s5], $0x80, v0, vm0, $0xb8;
	[tilespmem:$0x1180] =	vst v63  }
0x32: {  	v0 =	vld.msk [tilespmem:$0x900], $0x1;
	_ =	sdelay $0x4  }
0x33: {  	v3 =	vshll.u32 v0, $0x3  }
0x34: {  	v0 =	vand.u32 $0x7, v0;
	v3 =	vand.u32 $0xFFFFFFC0, v3  }
0x35: {  	v0 =	vor.u32 v0, v3  }
0x36: {  	v0 =	vperm.xlane v0, v63;
	_ =	sdelay $0x1  }
0x37: {  	v0 =	vadd.s32 v2, v0;
	_ =	sdelay $0x3  }
0x38: {  	s28 =	simm.s32 $0xD80  }
0x39: {  	[tilespmem:s28], [sflag:$0x1] =	stream.indirect_vreg.gather [hbm4b:s4+s5], $0x80, v0, vm0, $0xb8;
	[tilespmem:$0x1180] =	vst v63  }
0x3a: {  	_ =	swait.ge [sflag:s24], $0x400  }
0x3b: {  	[sflag:s24] =	ssyncset.done $0x0  }
0x3c: {  	s29 =	sshll.u32 s1, $0x7;
	[sflag:s24] =	ssyncadd.s32 $0xFFFFFC00  }
0x3d: {  	s4 =	sor.u32 s7, s29;
	_ =	swait.ge [sflag:s24], $0x400  }
0x3e: {  	s30 =	simm.s32 $0x400;
	s4 =	sand.u32 $0x470, s4;
	[sflag:s24] =	ssyncset.done $0x0  }
0x3f: {  	s3 =	sadd.s32 s4, s3;
	s2 =	sadd.s32 s2, s4;
	[sflag:s24] =	ssyncadd.s32 $0xFFFFFC00  }
0x40: {  	[hbm4b:s2+s13] =	stream.strided.scatter [tilespmem:s26], [sflag:$0x1], $0x400, s30, s13, $0x38;
	[tilespmem:$0x1180] =	vst v63  }
0x41: {  	s31 =	sadd.s32 $0xA00, s3  }
0x42: {  	[hbm4b:s31+s13] =	stream.strided.scatter [tilespmem:s28], [sflag:$0x1], $0x400, s30, s13, $0x38;
	[tilespmem:$0x1180] =	vst v63  }
0x43: {  	_ =	swait.ge [sflag:s24], $0x400  }
0x44: {  	[sflag:s24] =	ssyncset.done $0x0  }
0x45: {  	[sflag:s24] =	ssyncadd.s32 $0xFFFFFC00  }
0x46: {  	_ =	swait.ge [sflag:s24], $0x400  }
0x47: {  	[sflag:s24] =	ssyncset.done $0x0  }
0x48: {  	[sflag:s24] =	ssyncadd.s32 $0xFFFFFC00  }
0x49: {  	_ =	sfence.sel $0x180000  }
0x4a: {  	[bflag:$0x0] =	sbarrier.arrive $0xFFFF  }
0x4b: {  	p0 =	sne.s32 s1, $0x0;
	_ =	strace $0x90000047  }
0x4c: {  	s0 =	sadd.s32 @!p0 $0x100000, s0;
	[bflag:$0x2] =	sbarrier.arrive $0xFFFF  }
0x4d: {  	[sflag:s0] =	ssyncadd.tile.s32 @!p0 $0x1;
	_ =	shalt  }
.Lfunc_end2:
_tile_overlayer_lowered:
.L_overlay_start_2:
0x4e: {  	(tag) =	ssettag $0x2  }
0x4f: {  	s0 =	rddreg [dreg:$0x0];
	s2 =	stileid.u32  }
0x50: {  	s1 =	rddreg [dreg:$0x1];
	p0 =	sne.s32 s2, $0x0  }
0x51: {  	s3 =	rddreg [dreg:$0x2];
	[bflag:$0x3] =	sbarrier.arrive $0xFFFF;
	s2 =	simm.s32 @!p0 $0x1C02  }
0x52: {  	[timem:s3], [sflag:s2] =	dma.local @!p0 [hbm:s0], s1  }
0x53: {  	s0 =	simm.s32 @!p0 $0x2  }
0x54: {  	_ =	swait.ge @!p0 [sflag:s0], s1  }
0x55: {  	s1 =	ssub.s32 @!p0 $0x0, s1;
	[sflag:s0] =	ssyncset.done @!p0 $0x0  }
0x56: {  	[sflag:s0] =	ssyncadd.s32 @!p0 s1  }
0x57: {  	[bflag:$0x3] =	sbarrier.arrive $0xFFFF  }
0x58: {  	_ =	shalt  }

</sc_bundles>
